<compile_context>
chip_gen: v7x
topology: tpu7x:2x2x1
jax: 0.10.2.dev20260603
libtpu: 0.0.44.dev20260713+nightly
codegen_flags: <defaults>
</compile_context>

<pallas_src>
import functools

import jax
import jax.numpy as jnp
from jax import lax
from jax.experimental import pallas as pl
from jax.experimental.pallas import tpu as pltpu
from jax.experimental.pallas import tpu_sc as plsc

_L = 16


@functools.lru_cache(maxsize=None)
def _build_sc_lookup(batch: int, vocab: int):
    info = plsc.get_sparse_core_info()
    num_workers = info.num_cores * info.num_subcores
    b_per_w = batch // num_workers
    assert b_per_w % _L == 0 and (b_per_w * 4) % 8 == 0
    n_scatter = -(-vocab // _L)
    v_pad = n_scatter * _L
    n_gather = b_per_w // _L

    mesh = plsc.VectorSubcoreMesh(core_axis_name="c", subcore_axis_name="s")

    @functools.partial(
        pl.kernel,
        mesh=mesh,
        out_type=jax.ShapeDtypeStruct((batch,), jnp.int32),
        compiler_params=pltpu.CompilerParams(needs_layout_passes=False),
        scratch_types=[
            pltpu.VMEM((v_pad,), jnp.int32),
            pltpu.VMEM((v_pad,), jnp.int32),
            pltpu.VMEM((b_per_w,), jnp.int32),
            pltpu.VMEM((b_per_w,), jnp.int32),
            pltpu.SemaphoreType.DMA,
            pltpu.SemaphoreType.DMA,
        ],
    )
    def lookup(name_hbm, i2n_hbm, out_hbm, i2n_v, table_v, name_v, out_v,
               sem_a, sem_b):
        wid = lax.axis_index("s") * info.num_cores + lax.axis_index("c")
        base = wid * b_per_w
        cp_i2n = pltpu.async_copy(i2n_hbm, i2n_v.at[pl.ds(0, vocab)], sem_a)
        cp_name = pltpu.async_copy(
            name_hbm.at[pl.ds(base, b_per_w)], name_v, sem_b
        )
        cp_i2n.wait()

        full = (n_scatter - 1) * _L

        @plsc.parallel_loop(0, full, _L, unroll=2)
        def _scatter(i):
            keys = i2n_v[pl.ds(i, _L)]
            plsc.store_scatter(table_v, [keys], lax.iota(jnp.int32, _L) + i)

        tail_pos = lax.iota(jnp.int32, _L) + full
        tail_keys = i2n_v[pl.ds(full, _L)]
        plsc.store_scatter(table_v, [tail_keys], tail_pos,
                           mask=tail_pos < vocab)
        cp_name.wait()
        half = b_per_w // 2

        @plsc.parallel_loop(0, half, _L, unroll=2)
        def _gather_lo(i):
            q = name_v[pl.ds(i, _L)]
            out_v[pl.ds(i, _L)] = plsc.load_gather(table_v, [q])

        cp_out_lo = pltpu.async_copy(
            out_v.at[pl.ds(0, half)], out_hbm.at[pl.ds(base, half)], sem_a
        )

        @plsc.parallel_loop(half, b_per_w, _L, unroll=2)
        def _gather_hi(i):
            q = name_v[pl.ds(i, _L)]
            out_v[pl.ds(i, _L)] = plsc.load_gather(table_v, [q])

        pltpu.sync_copy(
            out_v.at[pl.ds(half, half)], out_hbm.at[pl.ds(base + half, half)]
        )
        cp_out_lo.wait()

    return lookup


def kernel(name, idx_to_name):
    return _build_sc_lookup(name.shape[0], idx_to_name.shape[0])(
        name, idx_to_name
    )

# --- scband reference (transcript-rebuilt; emitter-appended) ---
"""Pipeline reference for scband-name-to-index-61297773248957 (READ-ONLY COPY).

The authoritative reference and input builder live on the scoring server;
editing this copy changes nothing except your own understanding.
"""

import jax, jax.numpy as jnp
import numpy as np

VOCAB = 1000
BATCH = 16384

def setup_inputs(seed: int = 0) -> dict:
    key = jax.random.key(seed)
    k1, k2 = jax.random.split(key)
    # idx_to_name: index -> name mapping (names are integer IDs here).
    # Matches init_kwargs: identity list [0..999].
    idx_to_name = jnp.arange(VOCAB, dtype=jnp.int32)
    # Batch of names to look up; every name is guaranteed to exist in idx_to_name.
    name = jax.random.randint(k2, (BATCH,), 0, VOCAB, dtype=jnp.int32)
    return {"name": name, "idx_to_name": idx_to_name}

def reference(name, idx_to_name):
    # Faithful translation of name_to_index(name, idx_to_name):
    # build the inverse mapping name -> index, then gather for each query name.
    vocab = idx_to_name.shape[0]
    # name IDs are assumed to live in [0, vocab); scatter index positions by name value.
    name_to_idx_table = jnp.zeros((vocab,), dtype=jnp.int32).at[idx_to_name].set(
        jnp.arange(vocab, dtype=jnp.int32)
    )
    index = jnp.take(name_to_idx_table, name, axis=0)
    return index

if __name__ == "__main__":
    import jax
    _d = setup_inputs()
    print(jax.jit(kernel)(*tuple(_d.values())))

</pallas_src>

<mosaic_0001>
#map = affine_map<(d0, d1) -> (0)>
module attributes {stable_mosaic.version = 14 : i64} {
  func.func @lookup(%arg0: i32, %arg1: i32, %arg2: memref<16384xi32, #tpu.memory_space<hbm>>, %arg3: memref<1000xi32, #tpu.memory_space<hbm>>, %arg4: memref<16384xi32, #tpu.memory_space<hbm>>, %arg5: memref<1008xi32, #tpu.memory_space<vmem>>, %arg6: memref<1008xi32, #tpu.memory_space<vmem>>, %arg7: memref<512xi32, #tpu.memory_space<vmem>>, %arg8: memref<512xi32, #tpu.memory_space<vmem>>, %arg9: memref<!tpu.dma_semaphore, #tpu.memory_space<semaphore_mem>>, %arg10: memref<!tpu.dma_semaphore, #tpu.memory_space<semaphore_mem>>) attributes {dimension_semantics = [#tpu.dimension_semantics<core_parallel>, #tpu.dimension_semantics<subcore_parallel>], iteration_bounds = array<i64: 2, 16>, scalar_prefetch = 0 : i64, scratch_operands = 6 : i64, tpu.core_type = #tpu.core_type<sc_vector_subcore>, window_params = [{transform_indices = #map}, {transform_indices = #map}, {transform_indices = #map}]} {
    %mul3A = arith.constant 2 : i32
    %mul3A_0 = arith.muli %arg1, %mul3A : i32
    %add3A = arith.addi %mul3A_0, %arg0 : i32
    %mul3A_1 = arith.constant 512 : i32
    %mul3A_2 = arith.muli %add3A, %mul3A_1 : i32
    %dma_start3A = arith.constant 0 : i32
    %dma_start3A_3 = tpu.memref_slice %arg5[%dma_start3A] : memref<1008xi32, #tpu.memory_space<vmem>> -> memref<1000xi32, #tpu.memory_space<vmem>>
    %dma_start3A_4 = arith.constant 0 : i32
    %dma_start3A_5 = tpu.memref_slice %arg5[%dma_start3A_4] : memref<1008xi32, #tpu.memory_space<vmem>> -> memref<1000xi32, #tpu.memory_space<vmem>>
    tpu.enqueue_dma source(%arg3 : memref<1000xi32, #tpu.memory_space<hbm>>) target(%dma_start3A_5 : memref<1000xi32, #tpu.memory_space<vmem>>) target_semaphore(%arg9 : memref<!tpu.dma_semaphore, #tpu.memory_space<semaphore_mem>>)
    %dma_start3A_6 = tpu.memref_slice %arg2[%mul3A_2] : memref<16384xi32, #tpu.memory_space<hbm>> -> memref<512xi32, #tpu.memory_space<hbm>>
    %dma_start3A_7 = tpu.memref_slice %arg2[%mul3A_2] : memref<16384xi32, #tpu.memory_space<hbm>> -> memref<512xi32, #tpu.memory_space<hbm>>
    tpu.enqueue_dma source(%dma_start3A_7 : memref<512xi32, #tpu.memory_space<hbm>>) target(%arg7 : memref<512xi32, #tpu.memory_space<vmem>>) target_semaphore(%arg10 : memref<!tpu.dma_semaphore, #tpu.memory_space<semaphore_mem>>)
    %dma_wait3A = arith.constant 0 : i32
    %dma_wait3A_8 = tpu.memref_slice %arg5[%dma_wait3A] : memref<1008xi32, #tpu.memory_space<vmem>> -> memref<1000xi32, #tpu.memory_space<vmem>>
    %dma_wait3A_9 = arith.constant 0 : i32
    %dma_wait3A_10 = tpu.memref_slice %arg5[%dma_wait3A_9] : memref<1008xi32, #tpu.memory_space<vmem>> -> memref<1000xi32, #tpu.memory_space<vmem>>
    tpu.wait_dma2 semaphore(%arg9 : memref<!tpu.dma_semaphore, #tpu.memory_space<semaphore_mem>>) src(%arg3 : memref<1000xi32, #tpu.memory_space<hbm>>) dst(%dma_wait3A_10 : memref<1000xi32, #tpu.memory_space<vmem>>)
    %parallel_loop3A = arith.constant 0 : i32
    %parallel_loop3A_11 = arith.constant 992 : i32
    %parallel_loop3A_12 = arith.constant 16 : i32
    scf.for %parallel_loop3A_41 = %parallel_loop3A to %parallel_loop3A_11 step %parallel_loop3A_12  : i32 {
      %parallel_loop3A_42 = arith.index_cast %parallel_loop3A_41 : i32 to index
      %parallel_loop3A_43 = tpu.vector_load %arg5[%parallel_loop3A_42] {strides = array<i32>} : memref<1008xi32, #tpu.memory_space<vmem>>, vector<16xi32>,
      %parallel_loop3A_44 = tpu.iota {dimensions = array<i32: 0>} : vector<16xi32>
      %parallel_loop3A_45 = vector.broadcast %parallel_loop3A_41 : i32 to vector<16xi32>
      %parallel_loop3A_46 = arith.addi %parallel_loop3A_44, %parallel_loop3A_45 : vector<16xi32>
      tpu.vector_store_idx %arg6[%parallel_loop3A_43], %parallel_loop3A_46 : memref<1008xi32, #tpu.memory_space<vmem>>[vector<16xi32>], vector<16xi32>,
    } {sc.loop_unroll_factor = 2 : i64, sc.parallel_access}
    %iota3A = tpu.iota {dimensions = array<i32: 0>} : vector<16xi32>
    %add3A_13 = arith.constant 992 : i32
    %add3A_14 = vector.broadcast %add3A_13 : i32 to vector<16xi32>
    %add3A_15 = arith.addi %iota3A, %add3A_14 : vector<16xi32>
    %get3A = arith.constant 992 : index
    %get3A_16 = tpu.vector_load %arg5[%get3A] {strides = array<i32>} : memref<1008xi32, #tpu.memory_space<vmem>>, vector<16xi32>,
    %lt3A = arith.constant 1000 : i32
    %lt3A_17 = vector.broadcast %lt3A : i32 to vector<16xi32>
    %lt3A_18 = arith.cmpi slt, %add3A_15, %lt3A_17 : vector<16xi32>
    tpu.vector_store_idx %arg6[%get3A_16], %add3A_15 masked %lt3A_18 : memref<1008xi32, #tpu.memory_space<vmem>>[vector<16xi32>], vector<16xi32>, vector<16xi1>
    %dma_wait3A_19 = tpu.memref_slice %arg2[%mul3A_2] : memref<16384xi32, #tpu.memory_space<hbm>> -> memref<512xi32, #tpu.memory_space<hbm>>
    %dma_wait3A_20 = tpu.memref_slice %arg2[%mul3A_2] : memref<16384xi32, #tpu.memory_space<hbm>> -> memref<512xi32, #tpu.memory_space<hbm>>
    tpu.wait_dma2 semaphore(%arg10 : memref<!tpu.dma_semaphore, #tpu.memory_space<semaphore_mem>>) src(%dma_wait3A_20 : memref<512xi32, #tpu.memory_space<hbm>>) dst(%arg7 : memref<512xi32, #tpu.memory_space<vmem>>)
    %parallel_loop3A_21 = arith.constant 0 : i32
    %parallel_loop3A_22 = arith.constant 256 : i32
    %parallel_loop3A_23 = arith.constant 16 : i32
    scf.for %parallel_loop3A_41 = %parallel_loop3A_21 to %parallel_loop3A_22 step %parallel_loop3A_23  : i32 {
      %parallel_loop3A_42 = arith.index_cast %parallel_loop3A_41 : i32 to index
      %parallel_loop3A_43 = tpu.vector_load %arg7[%parallel_loop3A_42] {strides = array<i32>} : memref<512xi32, #tpu.memory_space<vmem>>, vector<16xi32>,
      %parallel_loop3A_44 = tpu.vector_load_idx %arg6[%parallel_loop3A_43] : memref<1008xi32, #tpu.memory_space<vmem>>[vector<16xi32>], vector<16xi32>,
      %parallel_loop3A_45 = arith.index_cast %parallel_loop3A_41 : i32 to index
      %parallel_loop3A_46 = tpu.vector_load %arg8[%parallel_loop3A_45] {strides = array<i32>} : memref<512xi32, #tpu.memory_space<vmem>>, vector<16xi32>,
      tpu.vector_store %arg8[%parallel_loop3A_45], %parallel_loop3A_44 {strides = array<i32>} : memref<512xi32, #tpu.memory_space<vmem>>, vector<16xi32>,
    } {sc.loop_unroll_factor = 2 : i64, sc.parallel_access}
    %dma_start3A_24 = arith.constant 0 : i32
    %dma_start3A_25 = tpu.memref_slice %arg8[%dma_start3A_24] : memref<512xi32, #tpu.memory_space<vmem>> -> memref<256xi32, #tpu.memory_space<vmem>>
    %dma_start3A_26 = tpu.memref_slice %arg4[%mul3A_2] : memref<16384xi32, #tpu.memory_space<hbm>> -> memref<256xi32, #tpu.memory_space<hbm>>
    %dma_start3A_27 = tpu.memref_slice %arg4[%mul3A_2] : memref<16384xi32, #tpu.memory_space<hbm>> -> memref<256xi32, #tpu.memory_space<hbm>>
    %dma_start3A_28 = arith.constant 0 : i32
    %dma_start3A_29 = tpu.memref_slice %arg8[%dma_start3A_28] : memref<512xi32, #tpu.memory_space<vmem>> -> memref<256xi32, #tpu.memory_space<vmem>>
    tpu.enqueue_dma source(%dma_start3A_29 : memref<256xi32, #tpu.memory_space<vmem>>) target(%dma_start3A_27 : memref<256xi32, #tpu.memory_space<hbm>>) target_semaphore(%arg9 : memref<!tpu.dma_semaphore, #tpu.memory_space<semaphore_mem>>)
    %parallel_loop3A_30 = arith.constant 256 : i32
    %parallel_loop3A_31 = arith.constant 512 : i32
    %parallel_loop3A_32 = arith.constant 16 : i32
    scf.for %parallel_loop3A_41 = %parallel_loop3A_30 to %parallel_loop3A_31 step %parallel_loop3A_32  : i32 {
      %parallel_loop3A_42 = arith.index_cast %parallel_loop3A_41 : i32 to index
      %parallel_loop3A_43 = tpu.vector_load %arg7[%parallel_loop3A_42] {strides = array<i32>} : memref<512xi32, #tpu.memory_space<vmem>>, vector<16xi32>,
      %parallel_loop3A_44 = tpu.vector_load_idx %arg6[%parallel_loop3A_43] : memref<1008xi32, #tpu.memory_space<vmem>>[vector<16xi32>], vector<16xi32>,
      %parallel_loop3A_45 = arith.index_cast %parallel_loop3A_41 : i32 to index
      %parallel_loop3A_46 = tpu.vector_load %arg8[%parallel_loop3A_45] {strides = array<i32>} : memref<512xi32, #tpu.memory_space<vmem>>, vector<16xi32>,
      tpu.vector_store %arg8[%parallel_loop3A_45], %parallel_loop3A_44 {strides = array<i32>} : memref<512xi32, #tpu.memory_space<vmem>>, vector<16xi32>,
    } {sc.loop_unroll_factor = 2 : i64, sc.parallel_access}
    %add3A_33 = arith.constant 256 : i32
    %add3A_34 = arith.addi %mul3A_2, %add3A_33 : i32
    "tpu.region"() ({
      %run_scoped3A = tpu.sem_alloc : memref<!tpu.dma_semaphore, #tpu.memory_space<semaphore_mem>>
      %dma_start3A_41 = arith.constant 256 : i32
      %dma_start3A_42 = tpu.memref_slice %arg8[%dma_start3A_41] : memref<512xi32, #tpu.memory_space<vmem>> -> memref<256xi32, #tpu.memory_space<vmem>>
      %dma_start3A_43 = tpu.memref_slice %arg4[%add3A_34] : memref<16384xi32, #tpu.memory_space<hbm>> -> memref<256xi32, #tpu.memory_space<hbm>>
      %dma_start3A_44 = tpu.memref_slice %arg4[%add3A_34] : memref<16384xi32, #tpu.memory_space<hbm>> -> memref<256xi32, #tpu.memory_space<hbm>>
      %dma_start3A_45 = arith.constant 256 : i32
      %dma_start3A_46 = tpu.memref_slice %arg8[%dma_start3A_45] : memref<512xi32, #tpu.memory_space<vmem>> -> memref<256xi32, #tpu.memory_space<vmem>>
      tpu.enqueue_dma source(%dma_start3A_46 : memref<256xi32, #tpu.memory_space<vmem>>) target(%dma_start3A_44 : memref<256xi32, #tpu.memory_space<hbm>>) target_semaphore(%run_scoped3A : memref<!tpu.dma_semaphore, #tpu.memory_space<semaphore_mem>>)
      %dma_wait3A_47 = arith.constant 256 : i32
      %dma_wait3A_48 = tpu.memref_slice %arg8[%dma_wait3A_47] : memref<512xi32, #tpu.memory_space<vmem>> -> memref<256xi32, #tpu.memory_space<vmem>>
      %dma_wait3A_49 = tpu.memref_slice %arg4[%add3A_34] : memref<16384xi32, #tpu.memory_space<hbm>> -> memref<256xi32, #tpu.memory_space<hbm>>
      %dma_wait3A_50 = tpu.memref_slice %arg4[%add3A_34] : memref<16384xi32, #tpu.memory_space<hbm>> -> memref<256xi32, #tpu.memory_space<hbm>>
      %dma_wait3A_51 = arith.constant 256 : i32
      %dma_wait3A_52 = tpu.memref_slice %arg8[%dma_wait3A_51] : memref<512xi32, #tpu.memory_space<vmem>> -> memref<256xi32, #tpu.memory_space<vmem>>
      tpu.wait_dma2 semaphore(%run_scoped3A : memref<!tpu.dma_semaphore, #tpu.memory_space<semaphore_mem>>) src(%dma_wait3A_52 : memref<256xi32, #tpu.memory_space<vmem>>) dst(%dma_wait3A_50 : memref<256xi32, #tpu.memory_space<hbm>>)
      tpu.yield
    }) : () -> ()
    %dma_wait3A_35 = arith.constant 0 : i32
    %dma_wait3A_36 = tpu.memref_slice %arg8[%dma_wait3A_35] : memref<512xi32, #tpu.memory_space<vmem>> -> memref<256xi32, #tpu.memory_space<vmem>>
    %dma_wait3A_37 = tpu.memref_slice %arg4[%mul3A_2] : memref<16384xi32, #tpu.memory_space<hbm>> -> memref<256xi32, #tpu.memory_space<hbm>>
    %dma_wait3A_38 = tpu.memref_slice %arg4[%mul3A_2] : memref<16384xi32, #tpu.memory_space<hbm>> -> memref<256xi32, #tpu.memory_space<hbm>>
    %dma_wait3A_39 = arith.constant 0 : i32
    %dma_wait3A_40 = tpu.memref_slice %arg8[%dma_wait3A_39] : memref<512xi32, #tpu.memory_space<vmem>> -> memref<256xi32, #tpu.memory_space<vmem>>
    tpu.wait_dma2 semaphore(%arg9 : memref<!tpu.dma_semaphore, #tpu.memory_space<semaphore_mem>>) src(%dma_wait3A_40 : memref<256xi32, #tpu.memory_space<vmem>>) dst(%dma_wait3A_38 : memref<256xi32, #tpu.memory_space<hbm>>)
    return
  }
}

</mosaic_0001>

<sc_bundles>
// kernel: kernel.3.cloned.1.call-start
scs
__scs_entry_jumppad:
0x0: {  	(pc) =	sbr.rel $0x88, $3  }
0x1: {  	(tag) =	ssettag $0x0;
	lr =	simm.s32 $0x1  }
0x2: {  	[smem:$0x3F9F] =	sst lr;
	_ =	strace $0xD0000000  }
0x3: {  	_ = 	snop  }
0x4: {  	_ = 	snop  }
0x5: {  	_ = 	snop  }
0x6: {  	_ = 	snop  }
0x7: {  	_ = 	snop  }
__scs_overlays_trampoline_lowered:
0x8: {  	[smem:$0x3FAE] =	sst s0  }
0x9: {  	[smem:$0x3FAF] =	sst s1  }
0xa: {  	[smem:$0x3FB0] =	sst s2  }
0xb: {  	[smem:$0x3FB1] =	sst s3  }
0xc: {  	[smem:$0x3FB2] =	sst s4  }
0xd: {  	[smem:$0x3FB3] =	sst s5  }
0xe: {  	[smem:$0x3FB4] =	sst s6  }
0xf: {  	[smem:$0x3FB5] =	sst s7  }
0x10: {  	[smem:$0x3FB6] =	sst s8  }
0x11: {  	[smem:$0x3FB7] =	sst s9;
	s0 =	simm.s32 @!p0 $0x0  }
0x12: {  	s1 =	sld [smem:$0x3F9D];
	s0 =	simm.s32 @p0 $0x1  }
0x13: {  	[smem:$0x3FB8] =	sst s0;
	s0 =	simm.s32 @!p1 $0x0  }
0x14: {  	s2 =	sld [smem:$0x3F9C];
	s0 =	simm.s32 @p1 $0x1  }
0x15: {  	[smem:$0x3FB9] =	sst s0;
	s0 =	simm.s32 @!p2 $0x0  }
0x16: {  	s3 =	sld [smem:$0x3FDB];
	s0 =	simm.s32 @p2 $0x1  }
0x17: {  	s4 =	simm.s32 $0x1BF5;
	[smem:$0x3FBB] =	sst s0  }
0x18: {  	s0 =	sld [smem:$0x3F9E];
	_ =	swait.ge [sflag:s4], $0x0  }
0x19: {  	s7 =	sld [smem:$0x3F9F]  }
0x1a: {  	s8 =	sadd.s32 $0xFFFFE003, lr  }
0x1b: {  	s9 =	sadd.s32 $0xFFFFFEF7, lr;
	s5 =	simm.s32 $0xFFFFFFFF;
	p2 =	slt.u32 s8, $0xFFFFF086  }
0x1c: {  	p1 =	slt.u32 s9, $0xF7A;
	s5 =	simm.s32 @!p2 $0x0  }
0x1d: {  	s5 =	simm.s32 @p1 $0x1;
	p0 =	seq.s32 s7, s2  }
0x1e: {  	s7 =	smul.u32 @!p0 $0xF7A, s2;
	p2 =	seq.s32 @!p0 s5, $0x0  }
0x1f: {  	s9 =	smul.u32 $0xF7A, s1;
	s8 =	simm.s32 @!p0 $0x1BF5;
	p2 =	por !p2, p0  }
0x20: {  	[sflag:s8] =	ssyncset.s32 @!p0 $0xFFFFF086;
	s6 =	sadd.s32 @!p0 s3, s7;
	s7 =	simm.s32 @!p0 $0x108  }
0x21: {  	s3 =	sadd.s32 s3, s9;
	s6 =	sadd.s32 @!p0 $0x88, s6;
	s7 =	simm.s32 @p2 $0x1082  }
0x22: {  	[simem:s7], [sflag:s8] =	dma.local @!p0 [hbm:s6], $0xF7A  }
0x23: {  	s9 =	sor.u32 $0xD0000000, s2;
	s6 =	simm.s32 $0x108;
	_ =	swait.ge @!p0 [sflag:s8], $0x0  }
0x24: {  	s3 =	sadd.s32 $0x88, s3;
	s6 =	simm.s32 @!p1 $0x1082;
	[sflag:s4] =	ssyncset.s32 $0xFFFFF086  }
0x25: {  	[simem:s6], [sflag:s4] =	dma.local [hbm:s3], $0xF7A  }
0x26: {  	[smem:$0x3F9F] =	sst s1;
	(tag) =	ssettag s2;
	_ =	strace s9  }
0x27: {  	s1 =	sld [smem:$0x3FAF]  }
0x28: {  	s2 =	sld [smem:$0x3FB0]  }
0x29: {  	s4 =	sld [smem:$0x3FB2]  }
0x2a: {  	p0 =	seq.s32 s5, $0x0;
	s5 =	sld [smem:$0x3FB3]  }
0x2b: {  	s6 =	sld [smem:$0x3FB4]  }
0x2c: {  	s7 =	sld [smem:$0x3FB5]  }
0x2d: {  	s3 =	simm.s32 $0x108;
	s8 =	sld [smem:$0x3FB6]  }
0x2e: {  	s3 =	simm.s32 @!p0 $0x1082;
	s9 =	sld [smem:$0x3FB7]  }
0x2f: {  	lr =	sadd.s32 s0, s3;
	s0 =	sld [smem:$0x3FAE]  }
0x30: {  	s3 =	sld [smem:$0x3FB1]  }
0x31: {  	[smem:$0x3FBA] =	sst s10  }
0x32: {  	s10 =	sld [smem:$0x3FB8];
	_ =	sdelay $0x3  }
0x33: {  	p0 =	seq.s32 s10, $0x1;
	s10 =	sld [smem:$0x3FBA];
	_ =	sdelay $0x3  }
0x34: {  	[smem:$0x3FBA] =	sst s10  }
0x35: {  	s10 =	sld [smem:$0x3FB9];
	_ =	sdelay $0x3  }
0x36: {  	p1 =	seq.s32 s10, $0x1;
	s10 =	sld [smem:$0x3FBA];
	_ =	sdelay $0x3  }
0x37: {  	[smem:$0x3FBA] =	sst s10  }
0x38: {  	s10 =	sld [smem:$0x3FBB]  }
0x39: {  	_ = 	snop;
	(pc) =	sbr.ind lr, $3  }
0x3a: {  	_ = 	snop  }
0x3b: {  	_ = 	snop  }
0x3c: {  	p2 =	seq.s32 s10, $0x1;
	s10 =	sld [smem:$0x3FBA]  }
0x3d: {  	_ =	shalt  }
0x3e: {  	_ =	shalt  }
0x3f: {  	_ =	shalt  }
0x40: {  	_ =	shalt  }
0x41: {  	_ =	shalt  }
0x42: {  	_ =	shalt  }
0x43: {  	_ =	shalt  }
0x44: {  	_ =	shalt  }
0x45: {  	_ =	shalt  }
0x46: {  	_ =	shalt  }
0x47: {  	_ =	shalt  }
0x48: {  	_ =	shalt  }
0x49: {  	_ =	shalt  }
0x4a: {  	_ =	shalt  }
0x4b: {  	_ =	shalt  }
0x4c: {  	_ =	shalt  }
0x4d: {  	_ =	shalt  }
0x4e: {  	_ =	shalt  }
0x4f: {  	_ =	shalt  }
0x50: {  	_ =	shalt  }
0x51: {  	_ =	shalt  }
0x52: {  	_ =	shalt  }
0x53: {  	_ =	shalt  }
0x54: {  	_ =	shalt  }
0x55: {  	_ =	shalt  }
0x56: {  	_ =	shalt  }
0x57: {  	_ =	shalt  }
0x58: {  	_ =	shalt  }
0x59: {  	_ =	shalt  }
0x5a: {  	_ =	shalt  }
0x5b: {  	_ =	shalt  }
0x5c: {  	_ =	shalt  }
0x5d: {  	_ =	shalt  }
0x5e: {  	_ =	shalt  }
0x5f: {  	_ =	shalt  }
0x60: {  	_ =	shalt  }
0x61: {  	_ =	shalt  }
0x62: {  	_ =	shalt  }
0x63: {  	_ =	shalt  }
0x64: {  	_ =	shalt  }
0x65: {  	_ =	shalt  }
0x66: {  	_ =	shalt  }
0x67: {  	_ =	shalt  }
0x68: {  	_ =	shalt  }
0x69: {  	_ =	shalt  }
0x6a: {  	_ =	shalt  }
0x6b: {  	_ =	shalt  }
0x6c: {  	_ =	shalt  }
0x6d: {  	_ =	shalt  }
0x6e: {  	_ =	shalt  }
0x6f: {  	_ =	shalt  }
0x70: {  	_ =	shalt  }
0x71: {  	_ =	shalt  }
0x72: {  	_ =	shalt  }
0x73: {  	_ =	shalt  }
0x74: {  	_ =	shalt  }
0x75: {  	_ =	shalt  }
0x76: {  	_ =	shalt  }
0x77: {  	_ =	shalt  }
0x78: {  	_ =	shalt  }
0x79: {  	_ =	shalt  }
0x7a: {  	_ =	shalt  }
0x7b: {  	_ =	shalt  }
0x7c: {  	_ =	shalt  }
0x7d: {  	_ =	shalt  }
0x7e: {  	_ =	shalt  }
0x7f: {  	_ =	shalt  }
0x80: {  	_ =	shalt  }
0x81: {  	_ =	shalt  }
0x82: {  	_ =	shalt  }
0x83: {  	_ =	shalt  }
0x84: {  	_ =	shalt  }
0x85: {  	_ =	shalt  }
0x86: {  	_ =	shalt  }
0x87: {  	_ =	shalt  }
.Lfunc_end0:
.L_simem_size_0:
called_computation_lowered:
.L_overlay_start_0:
0x88: {  	s2 =	sld [smem:$0x3FD9]  }
0x89: {  	s3 =	sld [smem:$0x3FFE];
	_ =	sdelay $0x1  }
0x8a: {  	s1 =	srdreg.scid  }
0x8b: {  	s0 =	sand.u32 $0x1, s1  }
0x8c: {  	s18 =	sshll.u32 s0, $0xA;
	s2 =	sadd.s32 s3, s2  }
0x8d: {  	s2 =	sadd.s32 s2, s18  }
0x8e: {  	[smem:$0x3FC6] =	sst s2  }
0x8f: {  	_ = 	snop  }
0x90: {  	s2 =	sld [smem:$0x3FC9]  }
0x91: {  	s19 =	sld [smem:$0x3FC8]  }
0x92: {  	s4 =	sld [smem:$0x3FD0];
	(tm) =	ssettm $0x1  }
0x93: {  	s5 =	sld [smem:$0x3FFB];
	_ =	sdelay $0x3  }
0x94: {  	_ =	strace s5  }
0x95: {  	s5 =	sld [smem:$0x3FFC];
	_ =	sdelay $0x3  }
0x96: {  	_ =	strace s5  }
0x97: {  	s5 =	sld [smem:$0x3FFD];
	_ =	sdelay $0x3  }
0x98: {  	_ =	strace s5  }
0x99: {  	_ =	strace $0x8FFFFFFF  }
0x9a: {  	s20 =	sld [smem:$0x3FDB];
	_ =	sdelay $0x1  }
0x9b: {  	s6 =	simm.s32 $_scs_section_size  }
0x9c: {  	s7 =	simm.s32 $_size__tile_overlayer_lowered;
	s8 =	simm.s32 $_tile_overlayer_lowered  }
0x9d: {  	s23 =	simm.s32 $0x1BFF;
	s22 =	sshll.u32 s8, $0x1;
	s5 =	sadd.s32 s6, s20  }
0x9e: {  	s9 =	simm.s32 $0x0;
	s21 =	sshll.u32 s7, $0x1;
	s7 =	sadd.s32 s22, s5  }
0x9f: {  	[timem:s9], [sflag:s23] =	dma.local [hbm:s7], s21  }
0xa0: {  	_ =	swait.ge [sflag:s23], s21  }
0xa1: {  	s6 =	ssub.s32 $0x0, s21;
	[sflag:s23] =	ssyncset.done $0x0  }
0xa2: {  	[sflag:s23] =	ssyncadd.s32 s6;
	_ =	sdelay $0x1  }
0xa3: {  	s24 =	simm.s32 $0x1B8B  }
0xa4: {  	_ =	swait.ge [sflag:s24], $0x1  }
0xa5: {  	[sflag:s24] =	ssyncset.done $0x0  }
0xa6: {  	s25 =	simm.s32 $0x1B8E;
	[sflag:s24] =	ssyncadd.s32 $0xFFFFFFFF  }
0xa7: {  	s26 =	simm.s32 $execute0_lowered;
	[smem:$0x3FD2] =	sst s25  }
0xa8: {  	s6 =	sshll.u32 s26, $0x1;
	_ =	strace $0x80000046;
	[dreg:$0x1] =	wrdreg $0xFFFFFFFF  }
0xa9: {  	s28 =	simm.s32 $_size_execute0_lowered;
	s5 =	sadd.s32 s5, s6;
	[dreg:$0x0] =	wrdreg $0x0  }
0xaa: {  	s6 =	sshll.u32 s28, $0x1;
	[dreg:$0x2] =	wrdreg s5  }
0xab: {  	[dreg:$0x3] =	wrdreg s6  }
0xac: {  	[dreg:$0x4] =	wrdreg $0xC0  }
0xad: {  	_ =	task [dreg:s9], $0x5FFFF  }
0xae: {  	[dreg:$0x1] =	wrdreg $0xFFFFFFFF  }
0xaf: {  	[dreg:$0x0] =	wrdreg $0x60  }
0xb0: {  	[dreg:$0x2] =	wrdreg s2  }
0xb1: {  	[dreg:$0x3] =	wrdreg s19  }
0xb2: {  	[dreg:$0x4] =	wrdreg s4  }
0xb3: {  	[dreg:$0x5] =	wrdreg $0x9  }
0xb4: {  	_ =	task.clear_ibuf [dreg:s9], $0x6FFFF;
	_ =	strace $0x90000046  }
0xb5: {  	s29 =	simm.s32 $0x9;
	_ =	strace $0x80000048  }
0xb6: {  	_ =	swait.ge [sflag:s29], $0x1  }
0xb7: {  	[sflag:s29] =	ssyncadd.s32 $0xFFFFFFFF  }
0xb8: {  	_ =	strace $0x90000048  }
0xb9: {  	_ =	sfence  }
0xba: {  	s30 =	sld [smem:$0x0];
	_ =	sdelay $0x2  }
0xbb: {  	s31 =	sshll.u32 s1, $0xD;
	s1 =	sshrl.u32 s1, $0x2  }
0xbc: {  	s3 =	sand.u32 $0x4000, s31;
	s1 =	sadd.s32 s1, s30  }
0xbd: {  	s0 =	sor.u32 s3, s0;
	s1 =	sshll.u32 s1, $0x11  }
0xbe: {  	s0 =	sor.u32 s1, s0  }
0xbf: {  	s0 =	sadd.s32 $0x8F2B, s0  }
0xc0: {  	[sflag:s0] =	ssyncadd.remote.s32 $0x1  }
0xc1: {  	_ =	sfence.sel $0xFFFF  }
0xc2: {  	[dreg:$0x0] =	wrdreg $0xFFFFFFFF;
	(pc) =	sbr.abs _section_cstart, $3  }
0xc3: {  	[dreg:$0x1] =	wrdreg $0xFFFFFFFF  }
0xc4: {  	_ =	task.clear_ibuf [dreg:s9], $0x2FFFF;
	_ =	strace $0x9FFFFFFF  }
0xc5: {  	(tm) =	ssettm $0x7FFFFFFF  }
tec
execute0_lowered:
.L_overlay_start_1:
0x0: {  	(tag) =	ssettag $0x1  }
0x1: {  	s5 =	rddreg [dreg:$0x0]  }
0x2: {  	s2 =	rddreg [dreg:$0x1]  }
0x3: {  	s4 =	rddreg [dreg:$0x2];
	s3 =	srdreg.scid  }
0x4: {  	s0 =	rddreg [dreg:$0x3];
	s1 =	stileid.u32;
	s9 =	simm.s32 $0x1  }
0x5: {  	s10 =	simm.s32 $0x400;
	s11 =	simm.s32 $0x2;
	s12 =	simm.s32 $0xA00  }
0x6: {  	s13 =	simm.s32 $0xB00;
	s14 =	simm.s32 $0x3;
	s15 =	simm.s32 $0x0  }
0x7: {  	s6 =	sand.u32 $0x1, s3;
	s3 =	simm.s32 $0x0;
	s7 =	sshll.u32 s1, $0x7  }
0x8: {  	s8 =	sshll.u32 s6, $0x6;
	[smem:$0x7FF] =	sst s3;
	s6 =	ssub.s32 $0x2, s6  }
0x9: {  	s7 =	sor.u32 s8, s7;
	_ =	strace $0x80000047;
	s31 =	sshrl.u32 s6, $0x1  }
0xa: {  	v0 =	vlaneseq.u32;
	s4 =	sadd.s32 s4, s7;
	s8 =	ssub.s32 s6, s31;
	s5 =	sadd.s32 s5, s7  }
0xb: {  	v1 =	vor.u32 $0x3E0, v0;
	s6 =	sadd.s32 $0x20, s4;
	s7 =	smax.u32 s8, $0x1;
	s8 =	simm.s32 $0x800  }
.LBB2_1:
0xc: {  	[tilespmem:s3], [sflag:$0x1] =	stream.linear.gather [hbm4b:s2+s3], $0x3E8, $0x38;
	[tilespmem:$0xC00] =	vst v63  }
0xd: {  	_ = 	snop  }
0xe: {  	[tilespmem:s8], [sflag:$0x2] =	stream.linear.gather [hbm4b:s5+s3], $0x200, $0x38;
	[tilespmem:$0xC00] =	vst v63  }
0xf: {  	_ =	swait.ge [sflag:s9], $0x3E8  }
0x10: {  	[sflag:s9] =	ssyncset.done $0x0  }
0x11: {  	s16 =	simm.s32 $0x10;
	[sflag:s9] =	ssyncadd.s32 $0xFFFFFC18  }
0x12: {  	v5 =	vld [tilespmem:s16+$0x0]  }
0x13: {  	v2 =	vld [tilespmem:s16+$0xFFFFFFF0];
	_ =	sdelay $0x4  }
0x14: {  	s17 =	simm.s32 $0x10  }
0x15: {  	v6 =	vor.u32 s17, v0;
	s17 =	simm.s32 $0x30  }
0x16: {  	s18 =	simm.s32 $0x40;
	v4 =	vor.u32 s3, v0;
	s16 =	simm.s32 $0x20;
	v3 =	vld [tilespmem:s17+$0x0];
	[tilespmem:v5+s10+$0x0] =	vst.idx.msk $0xffff, v6  }
.LBB2_2:
0x17: {  	p0 =	slt.u32 s18, $0x3C0;
	[tilespmem:v2+s10+$0x0] =	vst.idx.msk $0xffff, v4;
	v2 =	vld [tilespmem:s17+$0xFFFFFFF0];
	_ =	sdelay $0x2  }
.Ltmp0:
0x18: {  	(pc) =	sbr.rel @p0 .LBB2_2-.Ltmp0, $4  }
0x19: {  	_ = 	snop  }
0x1a: {  	s19 =	sadd.s32 $0x10, s16  }
0x1b: {  	s17 =	sadd.s32 $0x20, s17;
	v5 =	vor.u32 s19, v0  }
0x1c: {  	v4 =	vor.u32 s16, v0;
	s16 =	smov.u32 s18;
	s18 =	sadd.s32 $0x20, s18;
	[tilespmem:v3+s10+$0x0] =	vst.idx.msk $0xffff, v5;
	v3 =	vld [tilespmem:s17+$0x0]  }
0x1d: {  	_ = 	snop  }
0x1e: {  	v5 =	vld [tilespmem:s17+$0xFFFFFFF0];
	_ =	sdelay $0x4  }
0x1f: {  	s29 =	sadd.s32 $0x10, s16  }
0x20: {  	[tilespmem:v2+s10+$0x0] =	vst.idx.msk $0xffff, v4;
	v2 =	vor.u32 s29, v0  }
0x21: {  	v4 =	vor.u32 s16, v0;
	[tilespmem:v3+s10+$0x0] =	vst.idx.msk $0xffff, v2  }
0x22: {  	[tilespmem:v5+s10+$0x0] =	vst.idx.msk $0xffff, v4  }
0x23: {  	v2 =	vld [tilespmem:$0x3E0];
	_ =	sdelay $0x7  }
0x24: {  	[tilespmem:v2+s10+$0x0] =	vst.idx.msk $0xff, v1  }
0x25: {  	_ =	swait.ge [sflag:s11], $0x200  }
0x26: {  	[sflag:s11] =	ssyncset.done $0x0  }
0x27: {  	s30 =	simm.s32 $0x810;
	[sflag:s11] =	ssyncadd.s32 $0xFFFFFE00  }
0x28: {  	v4 =	vld [tilespmem:s30+$0xFFFFFFF0]  }
0x29: {  	v6 =	vld [tilespmem:s30+$0x0];
	_ =	sdelay $0x3  }
0x2a: {  	s31 =	simm.s32 $0x830  }
0x2b: {  	v2 =	vld [tilespmem:s31+$0xFFFFFFF0]  }
0x2c: {  	v3 =	vld [tilespmem:s31+$0x0]  }
0x2d: {  	v5 =	vld.idx.msk [tilespmem:v4+s10+$0x0], $0xffff  }
0x2e: {  	v4 =	vld.idx.msk [tilespmem:v6+s10+$0x0], $0xffff;
	_ =	sdelay $0x1  }
0x2f: {  	s16 =	simm.s32 $0xA10  }
0x30: {  	s18 =	simm.s32 $0x20;
	s19 =	simm.s32 $0x850;
	s17 =	simm.s32 $0xA10  }
.LBB2_4:
0x31: {  	v6 =	vld [tilespmem:s19+$0xFFFFFFF0];
	s18 =	sadd.s32 $0x20, s18;
	[tilespmem:s16+$0xFFFFFFF0] =	vst v5;
	s17 =	sadd.s32 $0x20, s17  }
0x32: {  	v7 =	vld [tilespmem:s19+$0x0];
	p0 =	slt.u32 s18, $0xE0;
	[tilespmem:s16+$0x0] =	vst v4;
	s16 =	smov.u32 s17  }
0x33: {  	v5 =	vld.idx.msk [tilespmem:v2+s10+$0x0], $0xffff  }
.Ltmp1:
0x34: {  	v4 =	vld.idx.msk [tilespmem:v3+s10+$0x0], $0xffff;
	(pc) =	sbr.rel @p0 .LBB2_4-.Ltmp1, $4  }
0x35: {  	_ = 	snop  }
0x36: {  	v2 =	vmov v6  }
0x37: {  	v3 =	vmov v7  }
0x38: {  	s19 =	sadd.s32 $0x20, s19  }
0x39: {  	_ =	sdelay $0x3  }
0x3a: {  	v2 =	vld.idx.msk [tilespmem:v2+s10+$0x0], $0xffff  }
0x3b: {  	v3 =	vld.idx.msk [tilespmem:v3+s10+$0x0], $0xffff;
	_ =	sdelay $0x1  }
0x3c: {  	[tilespmem:s16+$0xFFFFFFF0] =	vst v5  }
0x3d: {  	s17 =	sadd.s32 $0x20, s17;
	[tilespmem:s16+$0x0] =	vst v4  }
0x3e: {  	[tilespmem:s17+$0xFFFFFFF0] =	vst v2  }
0x3f: {  	s30 =	simm.s32 $0x910;
	[tilespmem:s17+$0x0] =	vst v3  }
0x40: {  	[hbm4b:s4+s3] =	stream.linear.scatter [tilespmem:s12], [sflag:$0x1], $0x100, $0x38;
	[tilespmem:$0xC00] =	vst v63  }
0x41: {  	v4 =	vld [tilespmem:s30+$0xFFFFFFF0]  }
0x42: {  	v6 =	vld [tilespmem:s30+$0x0];
	_ =	sdelay $0x3  }
0x43: {  	s31 =	simm.s32 $0x930  }
0x44: {  	v2 =	vld [tilespmem:s31+$0xFFFFFFF0]  }
0x45: {  	v3 =	vld [tilespmem:s31+$0x0]  }
0x46: {  	v5 =	vld.idx.msk [tilespmem:v4+s10+$0x0], $0xffff  }
0x47: {  	v4 =	vld.idx.msk [tilespmem:v6+s10+$0x0], $0xffff;
	_ =	sdelay $0x1  }
0x48: {  	s16 =	simm.s32 $0xB10  }
0x49: {  	s18 =	simm.s32 $0x120;
	s19 =	simm.s32 $0x950;
	s17 =	simm.s32 $0xB10  }
.LBB2_6:
0x4a: {  	v6 =	vld [tilespmem:s19+$0xFFFFFFF0];
	s18 =	sadd.s32 $0x20, s18;
	[tilespmem:s16+$0xFFFFFFF0] =	vst v5;
	s17 =	sadd.s32 $0x20, s17  }
0x4b: {  	v7 =	vld [tilespmem:s19+$0x0];
	p0 =	slt.u32 s18, $0x1E0;
	[tilespmem:s16+$0x0] =	vst v4;
	s16 =	smov.u32 s17  }
0x4c: {  	v5 =	vld.idx.msk [tilespmem:v2+s10+$0x0], $0xffff  }
.Ltmp2:
0x4d: {  	v4 =	vld.idx.msk [tilespmem:v3+s10+$0x0], $0xffff;
	(pc) =	sbr.rel @p0 .LBB2_6-.Ltmp2, $4  }
0x4e: {  	_ = 	snop  }
0x4f: {  	v2 =	vmov v6  }
0x50: {  	v3 =	vmov v7  }
0x51: {  	s19 =	sadd.s32 $0x20, s19  }
0x52: {  	_ =	sdelay $0x3  }
0x53: {  	v2 =	vld.idx.msk [tilespmem:v2+s10+$0x0], $0xffff  }
0x54: {  	v3 =	vld.idx.msk [tilespmem:v3+s10+$0x0], $0xffff;
	_ =	sdelay $0x1  }
0x55: {  	[tilespmem:s16+$0xFFFFFFF0] =	vst v5  }
0x56: {  	s17 =	sadd.s32 $0x20, s17;
	[tilespmem:s16+$0x0] =	vst v4  }
0x57: {  	[tilespmem:s17+$0xFFFFFFF0] =	vst v2  }
0x58: {  	s15 =	sadd.s32 $0x1, s15;
	[tilespmem:s17+$0x0] =	vst v3  }
0x59: {  	[hbm4b:s6+s3] =	stream.linear.scatter [tilespmem:s13], [sflag:$0x3], $0x100, $0x38;
	[tilespmem:$0xC00] =	vst v63  }
0x5a: {  	p0 =	sne.s32 s15, s7;
	_ =	swait.ge [sflag:s14], $0x100  }
.Ltmp3:
0x5b: {  	[sflag:s14] =	ssyncset.done $0x0;
	(pc) =	sbr.rel @p0 .LBB2_1-.Ltmp3, $4  }
0x5c: {  	[sflag:s14] =	ssyncadd.s32 $0xFFFFFF00  }
0x5d: {  	_ =	swait.ge [sflag:s9], $0x100  }
0x5e: {  	[sflag:s9] =	ssyncset.done $0x0  }
0x5f: {  	[sflag:s9] =	ssyncadd.s32 $0xFFFFFF00  }
0x60: {  	_ =	sfence.sel $0x180000  }
0x61: {  	[bflag:$0x0] =	sbarrier.arrive $0xFFFF  }
0x62: {  	p0 =	sne.s32 s1, $0x0;
	_ =	strace $0x90000047  }
0x63: {  	s0 =	sadd.s32 @!p0 $0x100000, s0;
	[bflag:$0x2] =	sbarrier.arrive $0xFFFF  }
0x64: {  	[sflag:s0] =	ssyncadd.tile.s32 @!p0 $0x1;
	_ =	shalt  }
.Lfunc_end2:
_tile_overlayer_lowered:
.L_overlay_start_2:
0x65: {  	(tag) =	ssettag $0x2  }
0x66: {  	s0 =	rddreg [dreg:$0x0];
	s2 =	stileid.u32  }
0x67: {  	s1 =	rddreg [dreg:$0x1];
	p0 =	sne.s32 s2, $0x0  }
0x68: {  	s3 =	rddreg [dreg:$0x2];
	[bflag:$0x3] =	sbarrier.arrive $0xFFFF;
	s2 =	simm.s32 @!p0 $0x1C03  }
0x69: {  	[timem:s3], [sflag:s2] =	dma.local @!p0 [hbm:s0], s1  }
0x6a: {  	s0 =	simm.s32 @!p0 $0x3  }
0x6b: {  	_ =	swait.ge @!p0 [sflag:s0], s1  }
0x6c: {  	s1 =	ssub.s32 @!p0 $0x0, s1;
	[sflag:s0] =	ssyncset.done @!p0 $0x0  }
0x6d: {  	[sflag:s0] =	ssyncadd.s32 @!p0 s1  }
0x6e: {  	[bflag:$0x3] =	sbarrier.arrive $0xFFFF  }
0x6f: {  	_ =	shalt  }

</sc_bundles>
